<compile_context>
chip_gen: v7x
topology: tpu7x:2x2x1
jax: 0.10.2.dev20260603
libtpu: 0.0.44.dev20260713+nightly
codegen_flags: <defaults>
</compile_context>

<pallas_src>
import functools

import jax
import jax.numpy as jnp
from jax import lax
from jax.experimental import pallas as pl
from jax.experimental.pallas import tpu as pltpu
from jax.experimental.pallas import tpu_sc as plsc

D = 64
B = 16384
_V = 100000

_ROWS_PER_BLOCK = 4096
_GCH = 256


def _sc_gather_one(table, idx):
    info = plsc.get_sparse_core_info()
    nc, ns = info.num_cores, info.num_subcores
    nw = nc * ns
    bpw = B // nw
    nch = bpw // _GCH
    mesh = plsc.VectorSubcoreMesh(core_axis_name="c", subcore_axis_name="s")

    @functools.partial(
        pl.kernel,
        mesh=mesh,
        compiler_params=pltpu.CompilerParams(use_tc_tiling_on_sc=True),
        out_type=jax.ShapeDtypeStruct((B, 2 * D), jnp.float32),
        scratch_types=[
            pltpu.VMEM((bpw,), jnp.int32),
            pltpu.VMEM((_GCH, 2 * D), jnp.float32),
            pltpu.VMEM((_GCH, 2 * D), jnp.float32),
            pltpu.SemaphoreType.DMA,
            pltpu.SemaphoreType.DMA,
        ],
    )
    def gather_kernel(t, i, o, iv, r0, r1, s0, s1):
        wid = lax.axis_index("s") * nc + lax.axis_index("c")
        base = wid * bpw
        bufs = (r0, r1)
        sems = (s0, s1)
        pltpu.sync_copy(i.at[pl.ds(base, bpw)], iv)
        copies = [None] * nch
        copies[0] = pltpu.async_copy(t.at[iv.at[pl.ds(0, _GCH)]], r0, s0)
        for ch in range(nch):
            if ch + 1 < nch:
                copies[ch + 1] = pltpu.async_copy(
                    t.at[iv.at[pl.ds((ch + 1) * _GCH, _GCH)]],
                    bufs[(ch + 1) % 2],
                    sems[(ch + 1) % 2],
                )
            copies[ch].wait()
            pltpu.sync_copy(bufs[ch % 2], o.at[pl.ds(base + ch * _GCH, _GCH)])

    return gather_kernel(table, idx)


def _bind_cosine_body(g1_ref, g2_ref, c_ref, out_ref):
    c = c_ref[...]
    e1 = g1_ref[:, :D]
    e2 = g2_ref[:, :D]
    w1 = jnp.dot(e1, c, preferred_element_type=jnp.float32)
    w2 = jnp.dot(e2, c, preferred_element_type=jnp.float32)
    num = jnp.sum(w1 * w2, axis=-1)
    n1 = jnp.sum(w1 * w1, axis=-1)
    n2 = jnp.sum(w2 * w2, axis=-1)
    out_ref[...] = num / (jnp.sqrt(n1) * jnp.sqrt(n2) + 1e-8)


def _bind_cosine(g1, g2, circ, interpret=False):
    r = _ROWS_PER_BLOCK
    g = B // r
    out = pl.pallas_call(
        _bind_cosine_body,
        grid=(g,),
        in_specs=[
            pl.BlockSpec((r, 2 * D), lambda i: (i, 0)),
            pl.BlockSpec((r, 2 * D), lambda i: (i, 0)),
            pl.BlockSpec((D, D), lambda i: (0, 0)),
        ],
        out_specs=pl.BlockSpec((r,), lambda i: (i,)),
        out_shape=jax.ShapeDtypeStruct((B,), jnp.float32),
        interpret=interpret,
    )(g1, g2, circ)
    return out


def _circulant(d):
    dd = jnp.concatenate([d, d])
    return jnp.stack([lax.slice(dd, (D - j,), (2 * D - j,)) for j in range(D)])


def kernel(source1, source2, dummy_vector, word1, word2):
    i1 = word1.astype(jnp.int32)
    i2 = word2.astype(jnp.int32)
    eye = jnp.eye(D, dtype=jnp.float32)
    zero = jnp.zeros((D, D), jnp.float32)
    p = jnp.concatenate([eye, zero], axis=1)
    table1 = jnp.dot(source1, p)
    g1 = _sc_gather_one(table1, i1)
    table2 = jnp.dot(source2, p)
    g2 = _sc_gather_one(table2, i2)
    return _bind_cosine(g1, g2, _circulant(dummy_vector))

# --- scband reference (transcript-rebuilt; emitter-appended) ---
"""Pipeline reference for scband-simple-model-31679678776018 (READ-ONLY COPY).

The authoritative reference and input builder live on the scoring server;
editing this copy changes nothing except your own understanding.
"""

import jax, jax.numpy as jnp
import numpy as np

VOCAB = 100000
D = 64
B = 16384


def _circ_conv(a, b):
    # circular convolution via FFT (HRR binding); a: [..., D], b: [D]
    fa = jnp.fft.rfft(a, n=D, axis=-1)
    fb = jnp.fft.rfft(b, n=D, axis=-1)
    return jnp.fft.irfft(fa * fb, n=D, axis=-1)


def _cosine(w1, w2, eps=1e-8):
    num = jnp.sum(w1 * w2, axis=-1)
    den = jnp.linalg.norm(w1, axis=-1) * jnp.linalg.norm(w2, axis=-1)
    return num / (den + eps)


def setup_inputs(seed: int = 0) -> dict:
    key = jax.random.key(seed)
    k1, k2, k3, k4, k5 = jax.random.split(key, 5)
    source1 = jax.random.normal(k1, (VOCAB, D), dtype=jnp.float32) * 0.02
    source2 = jax.random.normal(k2, (VOCAB, D), dtype=jnp.float32) * 0.02
    dummy_vector = jax.random.normal(k3, (D,), dtype=jnp.float32)
    word1 = jax.random.randint(k4, (B,), 0, VOCAB, dtype=jnp.int32).astype(jnp.int64)
    word2 = jax.random.randint(k5, (B,), 0, VOCAB, dtype=jnp.int32).astype(jnp.int64)
    return {"source1": source1, "source2": source2, "dummy_vector": dummy_vector,
            "word1": word1, "word2": word2}


def reference(source1, source2, dummy_vector, word1, word2):
    # embedding lookup (gather) from each source table
    e1 = jnp.take(source1, word1, axis=0)  # [B, D]
    e2 = jnp.take(source2, word2, axis=0)  # [B, D]
    # bind with dummy vector via circular convolution
    w1 = _circ_conv(e1, dummy_vector)
    w2 = _circ_conv(e2, dummy_vector)
    # sim_fn := cosine similarity
    return _cosine(w1, w2)

if __name__ == "__main__":
    import jax
    _d = setup_inputs()
    print(jax.jit(kernel)(*tuple(_d.values())))

</pallas_src>

<mosaic_0001>
#map = affine_map<(d0, d1) -> (0, 0)>
#map1 = affine_map<(d0, d1) -> (0)>
module attributes {stable_mosaic.version = 14 : i64} {
  func.func @gather_kernel(%arg0: i32, %arg1: i32, %arg2: memref<100000x128xf32, #tpu.memory_space<hbm>>, %arg3: memref<16384xi32, #tpu.memory_space<hbm>>, %arg4: memref<16384x128xf32, #tpu.memory_space<hbm>>, %arg5: memref<512xi32, #tpu.memory_space<vmem>>, %arg6: memref<256x128xf32, #tpu.memory_space<vmem>>, %arg7: memref<256x128xf32, #tpu.memory_space<vmem>>, %arg8: memref<!tpu.dma_semaphore, #tpu.memory_space<semaphore_mem>>, %arg9: memref<!tpu.dma_semaphore, #tpu.memory_space<semaphore_mem>>) attributes {dimension_semantics = [#tpu.dimension_semantics<core_parallel>, #tpu.dimension_semantics<subcore_parallel>], iteration_bounds = array<i64: 2, 16>, scalar_prefetch = 0 : i64, scratch_operands = 5 : i64, tpu.core_type = #tpu.core_type<sc_vector_subcore>, window_params = [{transform_indices = #map}, {transform_indices = #map1}, {transform_indices = #map}]} {
    %mul3A = arith.constant 2 : i32
    %mul3A_0 = arith.muli %arg1, %mul3A : i32
    %add3A = arith.addi %mul3A_0, %arg0 : i32
    %mul3A_1 = arith.constant 512 : i32
    %mul3A_2 = arith.muli %add3A, %mul3A_1 : i32
    "tpu.region"() ({
      %run_scoped3A = tpu.sem_alloc : memref<!tpu.dma_semaphore, #tpu.memory_space<semaphore_mem>>
      %dma_start3A_25 = tpu.memref_slice %arg3[%mul3A_2] : memref<16384xi32, #tpu.memory_space<hbm>> -> memref<512xi32, #tpu.memory_space<hbm>>
      %dma_start3A_26 = tpu.memref_slice %arg3[%mul3A_2] : memref<16384xi32, #tpu.memory_space<hbm>> -> memref<512xi32, #tpu.memory_space<hbm>>
      tpu.enqueue_dma source(%dma_start3A_26 : memref<512xi32, #tpu.memory_space<hbm>>) target(%arg5 : memref<512xi32, #tpu.memory_space<vmem>>) target_semaphore(%run_scoped3A : memref<!tpu.dma_semaphore, #tpu.memory_space<semaphore_mem>>)
      %dma_wait3A_27 = tpu.memref_slice %arg3[%mul3A_2] : memref<16384xi32, #tpu.memory_space<hbm>> -> memref<512xi32, #tpu.memory_space<hbm>>
      %dma_wait3A_28 = tpu.memref_slice %arg3[%mul3A_2] : memref<16384xi32, #tpu.memory_space<hbm>> -> memref<512xi32, #tpu.memory_space<hbm>>
      tpu.wait_dma2 semaphore(%run_scoped3A : memref<!tpu.dma_semaphore, #tpu.memory_space<semaphore_mem>>) src(%dma_wait3A_28 : memref<512xi32, #tpu.memory_space<hbm>>) dst(%arg5 : memref<512xi32, #tpu.memory_space<vmem>>)
      tpu.yield
    }) : () -> ()
    %dma_start3A = arith.constant 0 : i32
    %dma_start3A_3 = tpu.memref_slice %arg5[%dma_start3A] : memref<512xi32, #tpu.memory_space<vmem>> -> memref<256xi32, #tpu.memory_space<vmem>>
    %dma_start3A_4 = arith.constant 0 : i32
    %dma_start3A_5 = arith.constant 0 : i32
    %dma_start3A_6 = tpu.memref_slice %arg2[%dma_start3A_4, %dma_start3A_5] : memref<100000x128xf32, #tpu.memory_space<hbm>> -> memref<100000x128xf32, #tpu.memory_space<hbm>>
    tpu.enqueue_indirect_dma source(%dma_start3A_6 : memref<100000x128xf32, #tpu.memory_space<hbm>>) target(%arg6 : memref<256x128xf32, #tpu.memory_space<vmem>>) offsets(%dma_start3A_3 : memref<256xi32, #tpu.memory_space<vmem>>) semaphore(%arg8 : memref<!tpu.dma_semaphore, #tpu.memory_space<semaphore_mem>>)
    %dma_start3A_7 = arith.constant 256 : i32
    %dma_start3A_8 = tpu.memref_slice %arg5[%dma_start3A_7] : memref<512xi32, #tpu.memory_space<vmem>> -> memref<256xi32, #tpu.memory_space<vmem>>
    %dma_start3A_9 = arith.constant 0 : i32
    %dma_start3A_10 = arith.constant 0 : i32
    %dma_start3A_11 = tpu.memref_slice %arg2[%dma_start3A_9, %dma_start3A_10] : memref<100000x128xf32, #tpu.memory_space<hbm>> -> memref<100000x128xf32, #tpu.memory_space<hbm>>
    tpu.enqueue_indirect_dma source(%dma_start3A_11 : memref<100000x128xf32, #tpu.memory_space<hbm>>) target(%arg7 : memref<256x128xf32, #tpu.memory_space<vmem>>) offsets(%dma_start3A_8 : memref<256xi32, #tpu.memory_space<vmem>>) semaphore(%arg9 : memref<!tpu.dma_semaphore, #tpu.memory_space<semaphore_mem>>)
    %dma_wait3A = arith.constant 0 : i32
    %dma_wait3A_12 = tpu.memref_slice %arg5[%dma_wait3A] : memref<512xi32, #tpu.memory_space<vmem>> -> memref<256xi32, #tpu.memory_space<vmem>>
    %dma_wait3A_13 = arith.constant 0 : i32
    %dma_wait3A_14 = arith.constant 0 : i32
    %dma_wait3A_15 = tpu.memref_slice %arg2[%dma_wait3A_13, %dma_wait3A_14] : memref<100000x128xf32, #tpu.memory_space<hbm>> -> memref<100000x128xf32, #tpu.memory_space<hbm>>
    tpu.wait_indirect_dma semaphore(%arg8 : memref<!tpu.dma_semaphore, #tpu.memory_space<semaphore_mem>>) src(%dma_wait3A_15 : memref<100000x128xf32, #tpu.memory_space<hbm>>) dst(%arg6 : memref<256x128xf32, #tpu.memory_space<vmem>>)
    %add3A_16 = arith.constant 0 : i32
    %add3A_17 = arith.addi %mul3A_2, %add3A_16 : i32
    "tpu.region"() ({
      %run_scoped3A = tpu.sem_alloc : memref<!tpu.dma_semaphore, #tpu.memory_space<semaphore_mem>>
      %dma_start3A_25 = arith.constant 0 : i32
      %dma_start3A_26 = tpu.memref_slice %arg4[%add3A_17, %dma_start3A_25] : memref<16384x128xf32, #tpu.memory_space<hbm>> -> memref<256x128xf32, #tpu.memory_space<hbm>>
      %dma_start3A_27 = arith.constant 0 : i32
      %dma_start3A_28 = tpu.memref_slice %arg4[%add3A_17, %dma_start3A_27] : memref<16384x128xf32, #tpu.memory_space<hbm>> -> memref<256x128xf32, #tpu.memory_space<hbm>>
      tpu.enqueue_dma source(%arg6 : memref<256x128xf32, #tpu.memory_space<vmem>>) target(%dma_start3A_28 : memref<256x128xf32, #tpu.memory_space<hbm>>) target_semaphore(%run_scoped3A : memref<!tpu.dma_semaphore, #tpu.memory_space<semaphore_mem>>)
      %dma_wait3A_29 = arith.constant 0 : i32
      %dma_wait3A_30 = tpu.memref_slice %arg4[%add3A_17, %dma_wait3A_29] : memref<16384x128xf32, #tpu.memory_space<hbm>> -> memref<256x128xf32, #tpu.memory_space<hbm>>
      %dma_wait3A_31 = arith.constant 0 : i32
      %dma_wait3A_32 = tpu.memref_slice %arg4[%add3A_17, %dma_wait3A_31] : memref<16384x128xf32, #tpu.memory_space<hbm>> -> memref<256x128xf32, #tpu.memory_space<hbm>>
      tpu.wait_dma2 semaphore(%run_scoped3A : memref<!tpu.dma_semaphore, #tpu.memory_space<semaphore_mem>>) src(%arg6 : memref<256x128xf32, #tpu.memory_space<vmem>>) dst(%dma_wait3A_32 : memref<256x128xf32, #tpu.memory_space<hbm>>)
      tpu.yield
    }) : () -> ()
    %dma_wait3A_18 = arith.constant 256 : i32
    %dma_wait3A_19 = tpu.memref_slice %arg5[%dma_wait3A_18] : memref<512xi32, #tpu.memory_space<vmem>> -> memref<256xi32, #tpu.memory_space<vmem>>
    %dma_wait3A_20 = arith.constant 0 : i32
    %dma_wait3A_21 = arith.constant 0 : i32
    %dma_wait3A_22 = tpu.memref_slice %arg2[%dma_wait3A_20, %dma_wait3A_21] : memref<100000x128xf32, #tpu.memory_space<hbm>> -> memref<100000x128xf32, #tpu.memory_space<hbm>>
    tpu.wait_indirect_dma semaphore(%arg9 : memref<!tpu.dma_semaphore, #tpu.memory_space<semaphore_mem>>) src(%dma_wait3A_22 : memref<100000x128xf32, #tpu.memory_space<hbm>>) dst(%arg7 : memref<256x128xf32, #tpu.memory_space<vmem>>)
    %add3A_23 = arith.constant 256 : i32
    %add3A_24 = arith.addi %mul3A_2, %add3A_23 : i32
    "tpu.region"() ({
      %run_scoped3A = tpu.sem_alloc : memref<!tpu.dma_semaphore, #tpu.memory_space<semaphore_mem>>
      %dma_start3A_25 = arith.constant 0 : i32
      %dma_start3A_26 = tpu.memref_slice %arg4[%add3A_24, %dma_start3A_25] : memref<16384x128xf32, #tpu.memory_space<hbm>> -> memref<256x128xf32, #tpu.memory_space<hbm>>
      %dma_start3A_27 = arith.constant 0 : i32
      %dma_start3A_28 = tpu.memref_slice %arg4[%add3A_24, %dma_start3A_27] : memref<16384x128xf32, #tpu.memory_space<hbm>> -> memref<256x128xf32, #tpu.memory_space<hbm>>
      tpu.enqueue_dma source(%arg7 : memref<256x128xf32, #tpu.memory_space<vmem>>) target(%dma_start3A_28 : memref<256x128xf32, #tpu.memory_space<hbm>>) target_semaphore(%run_scoped3A : memref<!tpu.dma_semaphore, #tpu.memory_space<semaphore_mem>>)
      %dma_wait3A_29 = arith.constant 0 : i32
      %dma_wait3A_30 = tpu.memref_slice %arg4[%add3A_24, %dma_wait3A_29] : memref<16384x128xf32, #tpu.memory_space<hbm>> -> memref<256x128xf32, #tpu.memory_space<hbm>>
      %dma_wait3A_31 = arith.constant 0 : i32
      %dma_wait3A_32 = tpu.memref_slice %arg4[%add3A_24, %dma_wait3A_31] : memref<16384x128xf32, #tpu.memory_space<hbm>> -> memref<256x128xf32, #tpu.memory_space<hbm>>
      tpu.wait_dma2 semaphore(%run_scoped3A : memref<!tpu.dma_semaphore, #tpu.memory_space<semaphore_mem>>) src(%arg7 : memref<256x128xf32, #tpu.memory_space<vmem>>) dst(%dma_wait3A_32 : memref<256x128xf32, #tpu.memory_space<hbm>>)
      tpu.yield
    }) : () -> ()
    return
  }
}

#map = affine_map<(d0, d1) -> (0, 0)>
#map1 = affine_map<(d0, d1) -> (0)>
module attributes {stable_mosaic.version = 14 : i64} {
  func.func @gather_kernel(%arg0: i32, %arg1: i32, %arg2: memref<100000x128xf32, #tpu.memory_space<hbm>>, %arg3: memref<16384xi32, #tpu.memory_space<hbm>>, %arg4: memref<16384x128xf32, #tpu.memory_space<hbm>>, %arg5: memref<512xi32, #tpu.memory_space<vmem>>, %arg6: memref<256x128xf32, #tpu.memory_space<vmem>>, %arg7: memref<256x128xf32, #tpu.memory_space<vmem>>, %arg8: memref<!tpu.dma_semaphore, #tpu.memory_space<semaphore_mem>>, %arg9: memref<!tpu.dma_semaphore, #tpu.memory_space<semaphore_mem>>) attributes {dimension_semantics = [#tpu.dimension_semantics<core_parallel>, #tpu.dimension_semantics<subcore_parallel>], iteration_bounds = array<i64: 2, 16>, scalar_prefetch = 0 : i64, scratch_operands = 5 : i64, tpu.core_type = #tpu.core_type<sc_vector_subcore>, window_params = [{transform_indices = #map}, {transform_indices = #map1}, {transform_indices = #map}]} {
    %mul3A = arith.constant 2 : i32
    %mul3A_0 = arith.muli %arg1, %mul3A : i32
    %add3A = arith.addi %mul3A_0, %arg0 : i32
    %mul3A_1 = arith.constant 512 : i32
    %mul3A_2 = arith.muli %add3A, %mul3A_1 : i32
    "tpu.region"() ({
      %run_scoped3A = tpu.sem_alloc : memref<!tpu.dma_semaphore, #tpu.memory_space<semaphore_mem>>
      %dma_start3A_25 = tpu.memref_slice %arg3[%mul3A_2] : memref<16384xi32, #tpu.memory_space<hbm>> -> memref<512xi32, #tpu.memory_space<hbm>>
      %dma_start3A_26 = tpu.memref_slice %arg3[%mul3A_2] : memref<16384xi32, #tpu.memory_space<hbm>> -> memref<512xi32, #tpu.memory_space<hbm>>
      tpu.enqueue_dma source(%dma_start3A_26 : memref<512xi32, #tpu.memory_space<hbm>>) target(%arg5 : memref<512xi32, #tpu.memory_space<vmem>>) target_semaphore(%run_scoped3A : memref<!tpu.dma_semaphore, #tpu.memory_space<semaphore_mem>>)
      %dma_wait3A_27 = tpu.memref_slice %arg3[%mul3A_2] : memref<16384xi32, #tpu.memory_space<hbm>> -> memref<512xi32, #tpu.memory_space<hbm>>
      %dma_wait3A_28 = tpu.memref_slice %arg3[%mul3A_2] : memref<16384xi32, #tpu.memory_space<hbm>> -> memref<512xi32, #tpu.memory_space<hbm>>
      tpu.wait_dma2 semaphore(%run_scoped3A : memref<!tpu.dma_semaphore, #tpu.memory_space<semaphore_mem>>) src(%dma_wait3A_28 : memref<512xi32, #tpu.memory_space<hbm>>) dst(%arg5 : memref<512xi32, #tpu.memory_space<vmem>>)
      tpu.yield
    }) : () -> ()
    %dma_start3A = arith.constant 0 : i32
    %dma_start3A_3 = tpu.memref_slice %arg5[%dma_start3A] : memref<512xi32, #tpu.memory_space<vmem>> -> memref<256xi32, #tpu.memory_space<vmem>>
    %dma_start3A_4 = arith.constant 0 : i32
    %dma_start3A_5 = arith.constant 0 : i32
    %dma_start3A_6 = tpu.memref_slice %arg2[%dma_start3A_4, %dma_start3A_5] : memref<100000x128xf32, #tpu.memory_space<hbm>> -> memref<100000x128xf32, #tpu.memory_space<hbm>>
    tpu.enqueue_indirect_dma source(%dma_start3A_6 : memref<100000x128xf32, #tpu.memory_space<hbm>>) target(%arg6 : memref<256x128xf32, #tpu.memory_space<vmem>>) offsets(%dma_start3A_3 : memref<256xi32, #tpu.memory_space<vmem>>) semaphore(%arg8 : memref<!tpu.dma_semaphore, #tpu.memory_space<semaphore_mem>>)
    %dma_start3A_7 = arith.constant 256 : i32
    %dma_start3A_8 = tpu.memref_slice %arg5[%dma_start3A_7] : memref<512xi32, #tpu.memory_space<vmem>> -> memref<256xi32, #tpu.memory_space<vmem>>
    %dma_start3A_9 = arith.constant 0 : i32
    %dma_start3A_10 = arith.constant 0 : i32
    %dma_start3A_11 = tpu.memref_slice %arg2[%dma_start3A_9, %dma_start3A_10] : memref<100000x128xf32, #tpu.memory_space<hbm>> -> memref<100000x128xf32, #tpu.memory_space<hbm>>
    tpu.enqueue_indirect_dma source(%dma_start3A_11 : memref<100000x128xf32, #tpu.memory_space<hbm>>) target(%arg7 : memref<256x128xf32, #tpu.memory_space<vmem>>) offsets(%dma_start3A_8 : memref<256xi32, #tpu.memory_space<vmem>>) semaphore(%arg9 : memref<!tpu.dma_semaphore, #tpu.memory_space<semaphore_mem>>)
    %dma_wait3A = arith.constant 0 : i32
    %dma_wait3A_12 = tpu.memref_slice %arg5[%dma_wait3A] : memref<512xi32, #tpu.memory_space<vmem>> -> memref<256xi32, #tpu.memory_space<vmem>>
    %dma_wait3A_13 = arith.constant 0 : i32
    %dma_wait3A_14 = arith.constant 0 : i32
    %dma_wait3A_15 = tpu.memref_slice %arg2[%dma_wait3A_13, %dma_wait3A_14] : memref<100000x128xf32, #tpu.memory_space<hbm>> -> memref<100000x128xf32, #tpu.memory_space<hbm>>
    tpu.wait_indirect_dma semaphore(%arg8 : memref<!tpu.dma_semaphore, #tpu.memory_space<semaphore_mem>>) src(%dma_wait3A_15 : memref<100000x128xf32, #tpu.memory_space<hbm>>) dst(%arg6 : memref<256x128xf32, #tpu.memory_space<vmem>>)
    %add3A_16 = arith.constant 0 : i32
    %add3A_17 = arith.addi %mul3A_2, %add3A_16 : i32
    "tpu.region"() ({
      %run_scoped3A = tpu.sem_alloc : memref<!tpu.dma_semaphore, #tpu.memory_space<semaphore_mem>>
      %dma_start3A_25 = arith.constant 0 : i32
      %dma_start3A_26 = tpu.memref_slice %arg4[%add3A_17, %dma_start3A_25] : memref<16384x128xf32, #tpu.memory_space<hbm>> -> memref<256x128xf32, #tpu.memory_space<hbm>>
      %dma_start3A_27 = arith.constant 0 : i32
      %dma_start3A_28 = tpu.memref_slice %arg4[%add3A_17, %dma_start3A_27] : memref<16384x128xf32, #tpu.memory_space<hbm>> -> memref<256x128xf32, #tpu.memory_space<hbm>>
      tpu.enqueue_dma source(%arg6 : memref<256x128xf32, #tpu.memory_space<vmem>>) target(%dma_start3A_28 : memref<256x128xf32, #tpu.memory_space<hbm>>) target_semaphore(%run_scoped3A : memref<!tpu.dma_semaphore, #tpu.memory_space<semaphore_mem>>)
      %dma_wait3A_29 = arith.constant 0 : i32
      %dma_wait3A_30 = tpu.memref_slice %arg4[%add3A_17, %dma_wait3A_29] : memref<16384x128xf32, #tpu.memory_space<hbm>> -> memref<256x128xf32, #tpu.memory_space<hbm>>
      %dma_wait3A_31 = arith.constant 0 : i32
      %dma_wait3A_32 = tpu.memref_slice %arg4[%add3A_17, %dma_wait3A_31] : memref<16384x128xf32, #tpu.memory_space<hbm>> -> memref<256x128xf32, #tpu.memory_space<hbm>>
      tpu.wait_dma2 semaphore(%run_scoped3A : memref<!tpu.dma_semaphore, #tpu.memory_space<semaphore_mem>>) src(%arg6 : memref<256x128xf32, #tpu.memory_space<vmem>>) dst(%dma_wait3A_32 : memref<256x128xf32, #tpu.memory_space<hbm>>)
      tpu.yield
    }) : () -> ()
    %dma_wait3A_18 = arith.constant 256 : i32
    %dma_wait3A_19 = tpu.memref_slice %arg5[%dma_wait3A_18] : memref<512xi32, #tpu.memory_space<vmem>> -> memref<256xi32, #tpu.memory_space<vmem>>
    %dma_wait3A_20 = arith.constant 0 : i32
    %dma_wait3A_21 = arith.constant 0 : i32
    %dma_wait3A_22 = tpu.memref_slice %arg2[%dma_wait3A_20, %dma_wait3A_21] : memref<100000x128xf32, #tpu.memory_space<hbm>> -> memref<100000x128xf32, #tpu.memory_space<hbm>>
    tpu.wait_indirect_dma semaphore(%arg9 : memref<!tpu.dma_semaphore, #tpu.memory_space<semaphore_mem>>) src(%dma_wait3A_22 : memref<100000x128xf32, #tpu.memory_space<hbm>>) dst(%arg7 : memref<256x128xf32, #tpu.memory_space<vmem>>)
    %add3A_23 = arith.constant 256 : i32
    %add3A_24 = arith.addi %mul3A_2, %add3A_23 : i32
    "tpu.region"() ({
      %run_scoped3A = tpu.sem_alloc : memref<!tpu.dma_semaphore, #tpu.memory_space<semaphore_mem>>
      %dma_start3A_25 = arith.constant 0 : i32
      %dma_start3A_26 = tpu.memref_slice %arg4[%add3A_24, %dma_start3A_25] : memref<16384x128xf32, #tpu.memory_space<hbm>> -> memref<256x128xf32, #tpu.memory_space<hbm>>
      %dma_start3A_27 = arith.constant 0 : i32
      %dma_start3A_28 = tpu.memref_slice %arg4[%add3A_24, %dma_start3A_27] : memref<16384x128xf32, #tpu.memory_space<hbm>> -> memref<256x128xf32, #tpu.memory_space<hbm>>
      tpu.enqueue_dma source(%arg7 : memref<256x128xf32, #tpu.memory_space<vmem>>) target(%dma_start3A_28 : memref<256x128xf32, #tpu.memory_space<hbm>>) target_semaphore(%run_scoped3A : memref<!tpu.dma_semaphore, #tpu.memory_space<semaphore_mem>>)
      %dma_wait3A_29 = arith.constant 0 : i32
      %dma_wait3A_30 = tpu.memref_slice %arg4[%add3A_24, %dma_wait3A_29] : memref<16384x128xf32, #tpu.memory_space<hbm>> -> memref<256x128xf32, #tpu.memory_space<hbm>>
      %dma_wait3A_31 = arith.constant 0 : i32
      %dma_wait3A_32 = tpu.memref_slice %arg4[%add3A_24, %dma_wait3A_31] : memref<16384x128xf32, #tpu.memory_space<hbm>> -> memref<256x128xf32, #tpu.memory_space<hbm>>
      tpu.wait_dma2 semaphore(%run_scoped3A : memref<!tpu.dma_semaphore, #tpu.memory_space<semaphore_mem>>) src(%arg7 : memref<256x128xf32, #tpu.memory_space<vmem>>) dst(%dma_wait3A_32 : memref<256x128xf32, #tpu.memory_space<hbm>>)
      tpu.yield
    }) : () -> ()
    return
  }
}

module attributes {stable_mosaic.version = 14 : i64} {
  func.func @_bind_cosine_body(%arg0: i32, %arg1: memref<4096x128xf32, #tpu.memory_space<vmem>>, %arg2: memref<4096x128xf32, #tpu.memory_space<vmem>>, %arg3: memref<64x64xf32, #tpu.memory_space<vmem>>, %arg4: memref<4096xf32, #tpu.memory_space<vmem>>) attributes {dimension_semantics = [#tpu.dimension_semantics<arbitrary>], iteration_bounds = array<i64: 4>, scalar_prefetch = 0 : i64, scratch_operands = 0 : i64, tpu.core_type = #tpu.core_type<tc>, window_params = [{transform_indices = @transform_0, window_bounds = array<i64: 4096, 128>}, {transform_indices = @transform_1, window_bounds = array<i64: 4096, 128>}, {pipeline_mode = #tpu.pipeline_mode<synchronous>, transform_indices = @transform_2, window_bounds = array<i64: 64, 64>}, {transform_indices = @transform_3, window_bounds = array<i64: 4096>}]} {
    %get3A = arith.constant 0 : index
    %get3A_0 = arith.constant 0 : index
    %get3A_1 = vector.load %arg3[%get3A, %get3A_0] : memref<64x64xf32, #tpu.memory_space<vmem>>, vector<64x64xf32>
    %get3A_2 = arith.constant 0 : index
    %get3A_3 = arith.constant 0 : index
    %get3A_4 = vector.load %arg1[%get3A_2, %get3A_3] : memref<4096x128xf32, #tpu.memory_space<vmem>>, vector<4096x64xf32>
    %get3A_5 = arith.constant 0 : index
    %get3A_6 = arith.constant 0 : index
    %get3A_7 = vector.load %arg2[%get3A_5, %get3A_6] : memref<4096x128xf32, #tpu.memory_space<vmem>>, vector<4096x64xf32>
    %dot_general3A = arith.constant dense<0.000000e+00> : vector<4096x64xf32>
    %dot_general3A_8 = tpu.matmul %get3A_4, %get3A_1, %dot_general3A {dimension_numbers = #tpu.dot_dimension_numbers<[1], [0], [0], [1], [0, 0, 1, 1], [], []>, transpose_lhs_hint = false} : vector<4096x64xf32>, vector<64x64xf32>, vector<4096x64xf32> -> vector<4096x64xf32>
    %dot_general3A_9 = arith.constant dense<0.000000e+00> : vector<4096x64xf32>
    %dot_general3A_10 = tpu.matmul %get3A_7, %get3A_1, %dot_general3A_9 {dimension_numbers = #tpu.dot_dimension_numbers<[1], [0], [0], [1], [0, 0, 1, 1], [], []>, transpose_lhs_hint = false} : vector<4096x64xf32>, vector<64x64xf32>, vector<4096x64xf32> -> vector<4096x64xf32>
    %mul3A = arith.mulf %dot_general3A_8, %dot_general3A_10 : vector<4096x64xf32>
    %reduce_sum3A = arith.constant dense<0.000000e+00> : vector<4096xf32>
    %reduce_sum3A_11 = vector.multi_reduction <add>, %mul3A, %reduce_sum3A [1] : vector<4096x64xf32> to vector<4096xf32>
    %mul3A_12 = arith.mulf %dot_general3A_8, %dot_general3A_8 : vector<4096x64xf32>
    %reduce_sum3A_13 = arith.constant dense<0.000000e+00> : vector<4096xf32>
    %reduce_sum3A_14 = vector.multi_reduction <add>, %mul3A_12, %reduce_sum3A_13 [1] : vector<4096x64xf32> to vector<4096xf32>
    %mul3A_15 = arith.mulf %dot_general3A_10, %dot_general3A_10 : vector<4096x64xf32>
    %reduce_sum3A_16 = arith.constant dense<0.000000e+00> : vector<4096xf32>
    %reduce_sum3A_17 = vector.multi_reduction <add>, %mul3A_15, %reduce_sum3A_16 [1] : vector<4096x64xf32> to vector<4096xf32>
    %sqrt3A = math.sqrt %reduce_sum3A_14 : vector<4096xf32>
    %sqrt3A_18 = math.sqrt %reduce_sum3A_17 : vector<4096xf32>
    %mul3A_19 = arith.mulf %sqrt3A, %sqrt3A_18 : vector<4096xf32>
    %add3A = arith.constant 9.99999993E-9 : f32
    %add3A_20 = vector.broadcast %add3A : f32 to vector<4096xf32>
    %add3A_21 = arith.addf %mul3A_19, %add3A_20 : vector<4096xf32>
    %div3A = arith.divf %reduce_sum3A_11, %add3A_21 : vector<4096xf32>
    %swap3A = arith.constant 0 : index
    %swap3A_22 = vector.load %arg4[%swap3A] : memref<4096xf32, #tpu.memory_space<vmem>>, vector<4096xf32>
    tpu.vector_store %arg4[%swap3A], %div3A {strides = array<i32>} : memref<4096xf32, #tpu.memory_space<vmem>>, vector<4096xf32>,
    return
  }
  func.func @transform_0(%arg0: i32) -> (i32, i32) {
    %c0_i32 = arith.constant 0 : i32
    %c0_i32_0 = arith.constant 0 : i32
    return %arg0, %c0_i32 : i32, i32
  }
  func.func @transform_1(%arg0: i32) -> (i32, i32) {
    %c0_i32 = arith.constant 0 : i32
    %c0_i32_0 = arith.constant 0 : i32
    return %arg0, %c0_i32 : i32, i32
  }
  func.func @transform_2(%arg0: i32) -> (i32, i32) {
    %c0_i32 = arith.constant 0 : i32
    %c0_i32_0 = arith.constant 0 : i32
    %c0_i32_1 = arith.constant 0 : i32
    return %c0_i32, %c0_i32_0 : i32, i32
  }
  func.func @transform_3(%arg0: i32) -> i32 {
    %c0_i32 = arith.constant 0 : i32
    return %arg0 : i32
  }
}

</mosaic_0001>

<sc_bundles>
// kernel: kernel.5.cloned.1.call-start
scs
__scs_entry_jumppad:
0x0: {  	(pc) =	sbr.rel $0x88, $3  }
0x1: {  	(tag) =	ssettag $0x0;
	lr =	simm.s32 $0x1  }
0x2: {  	[smem:$0x3F9C] =	sst lr;
	_ =	strace $0xD0000000  }
0x3: {  	_ = 	snop  }
0x4: {  	_ = 	snop  }
0x5: {  	_ = 	snop  }
0x6: {  	_ = 	snop  }
0x7: {  	_ = 	snop  }
__scs_overlays_trampoline_lowered:
0x8: {  	[smem:$0x3FAB] =	sst s0  }
0x9: {  	[smem:$0x3FAC] =	sst s1  }
0xa: {  	[smem:$0x3FAD] =	sst s2  }
0xb: {  	[smem:$0x3FAE] =	sst s3  }
0xc: {  	[smem:$0x3FAF] =	sst s4  }
0xd: {  	[smem:$0x3FB0] =	sst s5  }
0xe: {  	[smem:$0x3FB1] =	sst s6  }
0xf: {  	[smem:$0x3FB2] =	sst s7  }
0x10: {  	[smem:$0x3FB3] =	sst s8  }
0x11: {  	[smem:$0x3FB4] =	sst s9;
	s0 =	simm.s32 @!p0 $0x0  }
0x12: {  	s1 =	sld [smem:$0x3F9A];
	s0 =	simm.s32 @p0 $0x1  }
0x13: {  	[smem:$0x3FB5] =	sst s0;
	s0 =	simm.s32 @!p1 $0x0  }
0x14: {  	s2 =	sld [smem:$0x3F99];
	s0 =	simm.s32 @p1 $0x1  }
0x15: {  	[smem:$0x3FB6] =	sst s0;
	s0 =	simm.s32 @!p2 $0x0  }
0x16: {  	s3 =	sld [smem:$0x3FDB];
	s0 =	simm.s32 @p2 $0x1  }
0x17: {  	s4 =	simm.s32 $0x1BF5;
	[smem:$0x3FB8] =	sst s0  }
0x18: {  	s0 =	sld [smem:$0x3F9B];
	_ =	swait.ge [sflag:s4], $0x0  }
0x19: {  	s7 =	sld [smem:$0x3F9C]  }
0x1a: {  	s8 =	sadd.s32 $0xFFFFE003, lr  }
0x1b: {  	s9 =	sadd.s32 $0xFFFFFEF7, lr;
	s5 =	simm.s32 $0xFFFFFFFF;
	p2 =	slt.u32 s8, $0xFFFFF086  }
0x1c: {  	p1 =	slt.u32 s9, $0xF7A;
	s5 =	simm.s32 @!p2 $0x0  }
0x1d: {  	s5 =	simm.s32 @p1 $0x1;
	p0 =	seq.s32 s7, s2  }
0x1e: {  	s7 =	smul.u32 @!p0 $0xF7A, s2;
	p2 =	seq.s32 @!p0 s5, $0x0  }
0x1f: {  	s9 =	smul.u32 $0xF7A, s1;
	s8 =	simm.s32 @!p0 $0x1BF5;
	p2 =	por !p2, p0  }
0x20: {  	[sflag:s8] =	ssyncset.s32 @!p0 $0xFFFFF086;
	s6 =	sadd.s32 @!p0 s3, s7;
	s7 =	simm.s32 @!p0 $0x108  }
0x21: {  	s3 =	sadd.s32 s3, s9;
	s6 =	sadd.s32 @!p0 $0x88, s6;
	s7 =	simm.s32 @p2 $0x1082  }
0x22: {  	[simem:s7], [sflag:s8] =	dma.local @!p0 [hbm:s6], $0xF7A  }
0x23: {  	s9 =	sor.u32 $0xD0000000, s2;
	s6 =	simm.s32 $0x108;
	_ =	swait.ge @!p0 [sflag:s8], $0x0  }
0x24: {  	s3 =	sadd.s32 $0x88, s3;
	s6 =	simm.s32 @!p1 $0x1082;
	[sflag:s4] =	ssyncset.s32 $0xFFFFF086  }
0x25: {  	[simem:s6], [sflag:s4] =	dma.local [hbm:s3], $0xF7A  }
0x26: {  	[smem:$0x3F9C] =	sst s1;
	(tag) =	ssettag s2;
	_ =	strace s9  }
0x27: {  	s1 =	sld [smem:$0x3FAC]  }
0x28: {  	s2 =	sld [smem:$0x3FAD]  }
0x29: {  	s4 =	sld [smem:$0x3FAF]  }
0x2a: {  	p0 =	seq.s32 s5, $0x0;
	s5 =	sld [smem:$0x3FB0]  }
0x2b: {  	s6 =	sld [smem:$0x3FB1]  }
0x2c: {  	s7 =	sld [smem:$0x3FB2]  }
0x2d: {  	s3 =	simm.s32 $0x108;
	s8 =	sld [smem:$0x3FB3]  }
0x2e: {  	s3 =	simm.s32 @!p0 $0x1082;
	s9 =	sld [smem:$0x3FB4]  }
0x2f: {  	lr =	sadd.s32 s0, s3;
	s0 =	sld [smem:$0x3FAB]  }
0x30: {  	s3 =	sld [smem:$0x3FAE]  }
0x31: {  	[smem:$0x3FB7] =	sst s10  }
0x32: {  	s10 =	sld [smem:$0x3FB5];
	_ =	sdelay $0x3  }
0x33: {  	p0 =	seq.s32 s10, $0x1;
	s10 =	sld [smem:$0x3FB7];
	_ =	sdelay $0x3  }
0x34: {  	[smem:$0x3FB7] =	sst s10  }
0x35: {  	s10 =	sld [smem:$0x3FB6];
	_ =	sdelay $0x3  }
0x36: {  	p1 =	seq.s32 s10, $0x1;
	s10 =	sld [smem:$0x3FB7];
	_ =	sdelay $0x3  }
0x37: {  	[smem:$0x3FB7] =	sst s10  }
0x38: {  	s10 =	sld [smem:$0x3FB8]  }
0x39: {  	_ = 	snop;
	(pc) =	sbr.ind lr, $3  }
0x3a: {  	_ = 	snop  }
0x3b: {  	_ = 	snop  }
0x3c: {  	p2 =	seq.s32 s10, $0x1;
	s10 =	sld [smem:$0x3FB7]  }
0x3d: {  	_ =	shalt  }
0x3e: {  	_ =	shalt  }
0x3f: {  	_ =	shalt  }
0x40: {  	_ =	shalt  }
0x41: {  	_ =	shalt  }
0x42: {  	_ =	shalt  }
0x43: {  	_ =	shalt  }
0x44: {  	_ =	shalt  }
0x45: {  	_ =	shalt  }
0x46: {  	_ =	shalt  }
0x47: {  	_ =	shalt  }
0x48: {  	_ =	shalt  }
0x49: {  	_ =	shalt  }
0x4a: {  	_ =	shalt  }
0x4b: {  	_ =	shalt  }
0x4c: {  	_ =	shalt  }
0x4d: {  	_ =	shalt  }
0x4e: {  	_ =	shalt  }
0x4f: {  	_ =	shalt  }
0x50: {  	_ =	shalt  }
0x51: {  	_ =	shalt  }
0x52: {  	_ =	shalt  }
0x53: {  	_ =	shalt  }
0x54: {  	_ =	shalt  }
0x55: {  	_ =	shalt  }
0x56: {  	_ =	shalt  }
0x57: {  	_ =	shalt  }
0x58: {  	_ =	shalt  }
0x59: {  	_ =	shalt  }
0x5a: {  	_ =	shalt  }
0x5b: {  	_ =	shalt  }
0x5c: {  	_ =	shalt  }
0x5d: {  	_ =	shalt  }
0x5e: {  	_ =	shalt  }
0x5f: {  	_ =	shalt  }
0x60: {  	_ =	shalt  }
0x61: {  	_ =	shalt  }
0x62: {  	_ =	shalt  }
0x63: {  	_ =	shalt  }
0x64: {  	_ =	shalt  }
0x65: {  	_ =	shalt  }
0x66: {  	_ =	shalt  }
0x67: {  	_ =	shalt  }
0x68: {  	_ =	shalt  }
0x69: {  	_ =	shalt  }
0x6a: {  	_ =	shalt  }
0x6b: {  	_ =	shalt  }
0x6c: {  	_ =	shalt  }
0x6d: {  	_ =	shalt  }
0x6e: {  	_ =	shalt  }
0x6f: {  	_ =	shalt  }
0x70: {  	_ =	shalt  }
0x71: {  	_ =	shalt  }
0x72: {  	_ =	shalt  }
0x73: {  	_ =	shalt  }
0x74: {  	_ =	shalt  }
0x75: {  	_ =	shalt  }
0x76: {  	_ =	shalt  }
0x77: {  	_ =	shalt  }
0x78: {  	_ =	shalt  }
0x79: {  	_ =	shalt  }
0x7a: {  	_ =	shalt  }
0x7b: {  	_ =	shalt  }
0x7c: {  	_ =	shalt  }
0x7d: {  	_ =	shalt  }
0x7e: {  	_ =	shalt  }
0x7f: {  	_ =	shalt  }
0x80: {  	_ =	shalt  }
0x81: {  	_ =	shalt  }
0x82: {  	_ =	shalt  }
0x83: {  	_ =	shalt  }
0x84: {  	_ =	shalt  }
0x85: {  	_ =	shalt  }
0x86: {  	_ =	shalt  }
0x87: {  	_ =	shalt  }
.Lfunc_end0:
.L_simem_size_0:
called_computation_lowered:
.L_overlay_start_0:
0x88: {  	s2 =	sld [smem:$0x3FD9]  }
0x89: {  	s3 =	sld [smem:$0x3FFE];
	_ =	sdelay $0x1  }
0x8a: {  	s1 =	srdreg.scid  }
0x8b: {  	s0 =	sand.u32 $0x1, s1  }
0x8c: {  	s17 =	sshll.u32 s0, $0xA;
	s2 =	sadd.s32 s3, s2  }
0x8d: {  	s2 =	sadd.s32 s2, s17  }
0x8e: {  	[smem:$0x3FC3] =	sst s2  }
0x8f: {  	_ = 	snop  }
0x90: {  	s2 =	sld [smem:$0x3FC6];
	(tm) =	ssettm $0x1  }
0x91: {  	s18 =	sld [smem:$0x3FFB];
	_ =	sdelay $0x3  }
0x92: {  	_ =	strace s18  }
0x93: {  	s3 =	sld [smem:$0x3FFC];
	_ =	sdelay $0x3  }
0x94: {  	_ =	strace s3  }
0x95: {  	s3 =	sld [smem:$0x3FFD];
	_ =	sdelay $0x3  }
0x96: {  	_ =	strace s3  }
0x97: {  	_ =	strace $0x8FFFFFFF  }
0x98: {  	s19 =	sld [smem:$0x3FDB];
	_ =	sdelay $0x1  }
0x99: {  	s4 =	simm.s32 $_scs_section_size  }
0x9a: {  	s5 =	simm.s32 $_size__tile_overlayer_lowered;
	s6 =	simm.s32 $_tile_overlayer_lowered  }
0x9b: {  	s22 =	simm.s32 $0x1BFF;
	s21 =	sshll.u32 s6, $0x1;
	s3 =	sadd.s32 s4, s19  }
0x9c: {  	s7 =	simm.s32 $0x0;
	s20 =	sshll.u32 s5, $0x1;
	s5 =	sadd.s32 s21, s3  }
0x9d: {  	[timem:s7], [sflag:s22] =	dma.local [hbm:s5], s20  }
0x9e: {  	_ =	swait.ge [sflag:s22], s20  }
0x9f: {  	s4 =	ssub.s32 $0x0, s20;
	[sflag:s22] =	ssyncset.done $0x0  }
0xa0: {  	[sflag:s22] =	ssyncadd.s32 s4;
	_ =	sdelay $0x1  }
0xa1: {  	s23 =	simm.s32 $0x1B8B  }
0xa2: {  	_ =	swait.ge [sflag:s23], $0x1  }
0xa3: {  	[sflag:s23] =	ssyncset.done $0x0  }
0xa4: {  	s25 =	simm.s32 $0x1B8E;
	s24 =	sld [smem:$0x3FFE];
	[sflag:s23] =	ssyncadd.s32 $0xFFFFFFFF  }
0xa5: {  	s26 =	simm.s32 $execute0_lowered;
	[smem:$0x3FD2] =	sst s25  }
0xa6: {  	s5 =	sshll.u32 s26, $0x1;
	_ =	strace $0x80000046;
	[dreg:$0x1] =	wrdreg $0xFFFFFFFF  }
0xa7: {  	s28 =	simm.s32 $_size_execute0_lowered;
	s3 =	sadd.s32 s3, s5;
	[dreg:$0x0] =	wrdreg $0x0  }
0xa8: {  	s5 =	sshll.u32 s28, $0x1;
	[dreg:$0x2] =	wrdreg s3  }
0xa9: {  	[dreg:$0x3] =	wrdreg s5  }
0xaa: {  	[dreg:$0x4] =	wrdreg $0xC0  }
0xab: {  	_ =	task [dreg:s7], $0x5FFFF  }
0xac: {  	[dreg:$0x1] =	wrdreg $0xFFFFFFFF  }
0xad: {  	[dreg:$0x0] =	wrdreg $0x60  }
0xae: {  	[dreg:$0x2] =	wrdreg s24  }
0xaf: {  	[dreg:$0x3] =	wrdreg s2  }
0xb0: {  	[dreg:$0x4] =	wrdreg $0x9  }
0xb1: {  	_ =	task.clear_ibuf [dreg:s7], $0x5FFFF;
	_ =	strace $0x90000046  }
0xb2: {  	s29 =	simm.s32 $0x9;
	_ =	strace $0x80000048  }
0xb3: {  	_ =	swait.ge [sflag:s29], $0x1  }
0xb4: {  	[sflag:s29] =	ssyncadd.s32 $0xFFFFFFFF  }
0xb5: {  	_ =	strace $0x90000048  }
0xb6: {  	_ =	sfence  }
0xb7: {  	s30 =	sld [smem:$0x0];
	_ =	sdelay $0x2  }
0xb8: {  	s31 =	sshll.u32 s1, $0xD;
	s1 =	sshrl.u32 s1, $0x2  }
0xb9: {  	s3 =	sand.u32 $0x4000, s31;
	s1 =	sadd.s32 s1, s30  }
0xba: {  	s0 =	sor.u32 s3, s0;
	s1 =	sshll.u32 s1, $0x11  }
0xbb: {  	s0 =	sor.u32 s1, s0  }
0xbc: {  	s0 =	sadd.s32 $0x8F2B, s0  }
0xbd: {  	[sflag:s0] =	ssyncadd.remote.s32 $0x1  }
0xbe: {  	_ =	sfence.sel $0xFFFF  }
0xbf: {  	[dreg:$0x0] =	wrdreg $0xFFFFFFFF;
	(pc) =	sbr.abs _section_cstart, $3  }
0xc0: {  	[dreg:$0x1] =	wrdreg $0xFFFFFFFF  }
0xc1: {  	_ =	task.clear_ibuf [dreg:s7], $0x2FFFF;
	_ =	strace $0x9FFFFFFF  }
0xc2: {  	(tm) =	ssettm $0x7FFFFFFF  }
0xc3: {  	_ =	shalt  }
tec
execute0_lowered:
.L_overlay_start_1:
0x0: {  	(tag) =	ssettag $0x1  }
0x1: {  	s1 =	srdreg.scid  }
0x2: {  	s10 =	rddreg [dreg:$0x0];
	s0 =	stileid.u32;
	s11 =	sand.u32 $0x1, s1  }
0x3: {  	s3 =	rddreg [dreg:$0x1];
	s4 =	sshll.u32 s0, $0xA;
	s5 =	sshll.u32 s11, $0x9  }
0x4: {  	s2 =	simm.s32 $0x0;
	s1 =	rddreg [dreg:$0x2];
	s12 =	sor.u32 s5, s4  }
0x5: {  	[smem:$0x7FF] =	sst s2;
	s4 =	sshrl.u32 s12, $0x3  }
0x6: {  	_ =	strace $0x80000047;
	s4 =	sadd.s32 s3, s4;
	s3 =	simm.s32 $0x3  }
0x7: {  	[tilespmem:s2], [sflag:$0x3] =	stream.linear.gather [hbm4b:s4+s2], $0x200, $0x38;
	[tilespmem:$0x10200] =	vst v63  }
0x8: {  	_ =	swait.ge [sflag:s3], $0x200  }
0x9: {  	s6 =	simm.s32 $0x100;
	[sflag:s3] =	ssyncset.done $0x0  }
0xa: {  	s7 =	simm.s32 $0x200;
	s5 =	sadd.s32 $0x3200, s10;
	[sflag:s3] =	ssyncadd.s32 $0xFFFFFE00  }
0xb: {  	[tilespmem:s7], [sflag:$0x1] =	stream.indirect.gather [hbm4b:s5+s6], $0x80, s2, s6, $0xb8;
	[tilespmem:$0x10200] =	vst v63  }
0xc: {  	s8 =	simm.s32 $0x8200;
	s9 =	simm.s32 $0x1  }
0xd: {  	[tilespmem:s8], [sflag:$0x2] =	stream.indirect.gather [hbm4b:s5+s6], $0x80, s6, s6, $0xb8;
	[tilespmem:$0x10200] =	vst v63  }
0xe: {  	s12 =	sshll.u32 s12, $0x4;
	_ =	swait.ge [sflag:s9], $0x8000  }
0xf: {  	s12 =	sadd.s32 s12, s10;
	[sflag:s9] =	ssyncset.done $0x0  }
0x10: {  	s13 =	ssub.s32 $0x2, s11;
	s10 =	sadd.s32 $0x189C00, s12;
	[sflag:s9] =	ssyncadd.s32 $0xFFFF8000  }
0x11: {  	[hbm4b:s10+s2] =	stream.linear.scatter [tilespmem:s7], [sflag:$0x3], $0x8000, $0x38;
	[tilespmem:$0x10200] =	vst v63  }
0x12: {  	s14 =	sshrl.u32 s13, $0x1;
	_ =	swait.ge [sflag:s3], $0x8000  }
0x13: {  	s13 =	ssub.s32 s13, s14;
	[sflag:s3] =	ssyncset.done $0x0  }
0x14: {  	s11 =	simm.s32 $0x2;
	s13 =	smax.u32 s13, $0x1;
	[sflag:s3] =	ssyncadd.s32 $0xFFFF8000  }
0x15: {  	p0 =	sne.s32 s13, $0x1;
	_ =	swait.ge [sflag:s11], $0x8000  }
.Ltmp0:
0x16: {  	[sflag:s11] =	ssyncset.done $0x0;
	(pc) =	sbr.rel @!p0 .LBB2_2-.Ltmp0, $4  }
0x17: {  	s12 =	sadd.s32 $0x18AC00, s12;
	[sflag:s11] =	ssyncadd.s32 $0xFFFF8000  }
0x18: {  	[hbm4b:s12+s2] =	stream.linear.scatter [tilespmem:s8], [sflag:$0x3], $0x8000, $0x38;
	[tilespmem:$0x10200] =	vst v63  }
0x19: {  	_ =	swait.ge [sflag:s3], $0x8000  }
0x1a: {  	s13 =	sadd.s32 $0xFFFFFFFF, s13;
	[sflag:s3] =	ssyncset.done $0x0  }
.LBB2_1:
0x1b: {  	p0 =	sne.s32 s13, $0x1;
	s13 =	sadd.s32 $0xFFFFFFFF, s13;
	[sflag:s3] =	ssyncadd.s32 $0xFFFF8000  }
0x1c: {  	[tilespmem:s2], [sflag:$0x3] =	stream.linear.gather [hbm4b:s4+s2], $0x200, $0x38;
	[tilespmem:$0x10200] =	vst v63  }
0x1d: {  	_ =	swait.ge [sflag:s3], $0x200  }
0x1e: {  	[sflag:s3] =	ssyncset.done $0x0  }
0x1f: {  	[sflag:s3] =	ssyncadd.s32 $0xFFFFFE00  }
0x20: {  	[tilespmem:s7], [sflag:$0x1] =	stream.indirect.gather [hbm4b:s5+s6], $0x80, s2, s6, $0xb8;
	[tilespmem:$0x10200] =	vst v63  }
0x21: {  	_ = 	snop  }
0x22: {  	[tilespmem:s8], [sflag:$0x2] =	stream.indirect.gather [hbm4b:s5+s6], $0x80, s6, s6, $0xb8;
	[tilespmem:$0x10200] =	vst v63  }
0x23: {  	_ =	swait.ge [sflag:s9], $0x8000  }
0x24: {  	[sflag:s9] =	ssyncset.done $0x0  }
0x25: {  	[sflag:s9] =	ssyncadd.s32 $0xFFFF8000  }
0x26: {  	[hbm4b:s10+s2] =	stream.linear.scatter [tilespmem:s7], [sflag:$0x3], $0x8000, $0x38;
	[tilespmem:$0x10200] =	vst v63  }
0x27: {  	_ =	swait.ge [sflag:s3], $0x8000  }
0x28: {  	[sflag:s3] =	ssyncset.done $0x0  }
0x29: {  	[sflag:s3] =	ssyncadd.s32 $0xFFFF8000  }
0x2a: {  	_ =	swait.ge [sflag:s11], $0x8000  }
.Ltmp1:
0x2b: {  	[sflag:s11] =	ssyncset.done $0x0;
	(pc) =	sbr.rel @p0 .LBB2_1-.Ltmp1, $4  }
0x2c: {  	[sflag:s11] =	ssyncadd.s32 $0xFFFF8000  }
0x2d: {  	[hbm4b:s12+s2] =	stream.linear.scatter [tilespmem:s8], [sflag:$0x3], $0x8000, $0x38;
	[tilespmem:$0x10200] =	vst v63  }
0x2e: {  	_ =	swait.ge [sflag:s3], $0x8000  }
0x2f: {  	[sflag:s3] =	ssyncset.done $0x0  }
.LBB2_2:
0x30: {  	[sflag:s3] =	ssyncadd.s32 $0xFFFF8000  }
0x31: {  	_ =	sfence.sel $0x180000  }
0x32: {  	[bflag:$0x0] =	sbarrier.arrive $0xFFFF  }
0x33: {  	p0 =	sne.s32 s0, $0x0;
	_ =	strace $0x90000047  }
0x34: {  	s0 =	sadd.s32 @!p0 $0x100000, s1;
	[bflag:$0x2] =	sbarrier.arrive $0xFFFF  }
0x35: {  	[sflag:s0] =	ssyncadd.tile.s32 @!p0 $0x1;
	_ =	shalt  }
.Lfunc_end2:
_tile_overlayer_lowered:
.L_overlay_start_2:
0x36: {  	(tag) =	ssettag $0x2  }
0x37: {  	s0 =	rddreg [dreg:$0x0];
	s2 =	stileid.u32  }
0x38: {  	s1 =	rddreg [dreg:$0x1];
	p0 =	sne.s32 s2, $0x0  }
0x39: {  	s3 =	rddreg [dreg:$0x2];
	[bflag:$0x3] =	sbarrier.arrive $0xFFFF;
	s2 =	simm.s32 @!p0 $0x1C03  }
0x3a: {  	[timem:s3], [sflag:s2] =	dma.local @!p0 [hbm:s0], s1  }
0x3b: {  	s0 =	simm.s32 @!p0 $0x3  }
0x3c: {  	_ =	swait.ge @!p0 [sflag:s0], s1  }
0x3d: {  	s1 =	ssub.s32 @!p0 $0x0, s1;
	[sflag:s0] =	ssyncset.done @!p0 $0x0  }
0x3e: {  	[sflag:s0] =	ssyncadd.s32 @!p0 s1  }
0x3f: {  	[bflag:$0x3] =	sbarrier.arrive $0xFFFF  }
0x40: {  	_ =	shalt  }

// kernel: kernel.8.cloned.1.call-start
scs
__scs_entry_jumppad:
0x0: {  	(pc) =	sbr.rel $0x88, $3  }
0x1: {  	(tag) =	ssettag $0x0;
	lr =	simm.s32 $0x1  }
0x2: {  	[smem:$0x3F9C] =	sst lr;
	_ =	strace $0xD0000000  }
0x3: {  	_ = 	snop  }
0x4: {  	_ = 	snop  }
0x5: {  	_ = 	snop  }
0x6: {  	_ = 	snop  }
0x7: {  	_ = 	snop  }
__scs_overlays_trampoline_lowered:
0x8: {  	[smem:$0x3FAB] =	sst s0  }
0x9: {  	[smem:$0x3FAC] =	sst s1  }
0xa: {  	[smem:$0x3FAD] =	sst s2  }
0xb: {  	[smem:$0x3FAE] =	sst s3  }
0xc: {  	[smem:$0x3FAF] =	sst s4  }
0xd: {  	[smem:$0x3FB0] =	sst s5  }
0xe: {  	[smem:$0x3FB1] =	sst s6  }
0xf: {  	[smem:$0x3FB2] =	sst s7  }
0x10: {  	[smem:$0x3FB3] =	sst s8  }
0x11: {  	[smem:$0x3FB4] =	sst s9;
	s0 =	simm.s32 @!p0 $0x0  }
0x12: {  	s1 =	sld [smem:$0x3F9A];
	s0 =	simm.s32 @p0 $0x1  }
0x13: {  	[smem:$0x3FB5] =	sst s0;
	s0 =	simm.s32 @!p1 $0x0  }
0x14: {  	s2 =	sld [smem:$0x3F99];
	s0 =	simm.s32 @p1 $0x1  }
0x15: {  	[smem:$0x3FB6] =	sst s0;
	s0 =	simm.s32 @!p2 $0x0  }
0x16: {  	s3 =	sld [smem:$0x3FDB];
	s0 =	simm.s32 @p2 $0x1  }
0x17: {  	s4 =	simm.s32 $0x1BF5;
	[smem:$0x3FB8] =	sst s0  }
0x18: {  	s0 =	sld [smem:$0x3F9B];
	_ =	swait.ge [sflag:s4], $0x0  }
0x19: {  	s7 =	sld [smem:$0x3F9C]  }
0x1a: {  	s8 =	sadd.s32 $0xFFFFE003, lr  }
0x1b: {  	s9 =	sadd.s32 $0xFFFFFEF7, lr;
	s5 =	simm.s32 $0xFFFFFFFF;
	p2 =	slt.u32 s8, $0xFFFFF086  }
0x1c: {  	p1 =	slt.u32 s9, $0xF7A;
	s5 =	simm.s32 @!p2 $0x0  }
0x1d: {  	s5 =	simm.s32 @p1 $0x1;
	p0 =	seq.s32 s7, s2  }
0x1e: {  	s7 =	smul.u32 @!p0 $0xF7A, s2;
	p2 =	seq.s32 @!p0 s5, $0x0  }
0x1f: {  	s9 =	smul.u32 $0xF7A, s1;
	s8 =	simm.s32 @!p0 $0x1BF5;
	p2 =	por !p2, p0  }
0x20: {  	[sflag:s8] =	ssyncset.s32 @!p0 $0xFFFFF086;
	s6 =	sadd.s32 @!p0 s3, s7;
	s7 =	simm.s32 @!p0 $0x108  }
0x21: {  	s3 =	sadd.s32 s3, s9;
	s6 =	sadd.s32 @!p0 $0x88, s6;
	s7 =	simm.s32 @p2 $0x1082  }
0x22: {  	[simem:s7], [sflag:s8] =	dma.local @!p0 [hbm:s6], $0xF7A  }
0x23: {  	s9 =	sor.u32 $0xD0000000, s2;
	s6 =	simm.s32 $0x108;
	_ =	swait.ge @!p0 [sflag:s8], $0x0  }
0x24: {  	s3 =	sadd.s32 $0x88, s3;
	s6 =	simm.s32 @!p1 $0x1082;
	[sflag:s4] =	ssyncset.s32 $0xFFFFF086  }
0x25: {  	[simem:s6], [sflag:s4] =	dma.local [hbm:s3], $0xF7A  }
0x26: {  	[smem:$0x3F9C] =	sst s1;
	(tag) =	ssettag s2;
	_ =	strace s9  }
0x27: {  	s1 =	sld [smem:$0x3FAC]  }
0x28: {  	s2 =	sld [smem:$0x3FAD]  }
0x29: {  	s4 =	sld [smem:$0x3FAF]  }
0x2a: {  	p0 =	seq.s32 s5, $0x0;
	s5 =	sld [smem:$0x3FB0]  }
0x2b: {  	s6 =	sld [smem:$0x3FB1]  }
0x2c: {  	s7 =	sld [smem:$0x3FB2]  }
0x2d: {  	s3 =	simm.s32 $0x108;
	s8 =	sld [smem:$0x3FB3]  }
0x2e: {  	s3 =	simm.s32 @!p0 $0x1082;
	s9 =	sld [smem:$0x3FB4]  }
0x2f: {  	lr =	sadd.s32 s0, s3;
	s0 =	sld [smem:$0x3FAB]  }
0x30: {  	s3 =	sld [smem:$0x3FAE]  }
0x31: {  	[smem:$0x3FB7] =	sst s10  }
0x32: {  	s10 =	sld [smem:$0x3FB5];
	_ =	sdelay $0x3  }
0x33: {  	p0 =	seq.s32 s10, $0x1;
	s10 =	sld [smem:$0x3FB7];
	_ =	sdelay $0x3  }
0x34: {  	[smem:$0x3FB7] =	sst s10  }
0x35: {  	s10 =	sld [smem:$0x3FB6];
	_ =	sdelay $0x3  }
0x36: {  	p1 =	seq.s32 s10, $0x1;
	s10 =	sld [smem:$0x3FB7];
	_ =	sdelay $0x3  }
0x37: {  	[smem:$0x3FB7] =	sst s10  }
0x38: {  	s10 =	sld [smem:$0x3FB8]  }
0x39: {  	_ = 	snop;
	(pc) =	sbr.ind lr, $3  }
0x3a: {  	_ = 	snop  }
0x3b: {  	_ = 	snop  }
0x3c: {  	p2 =	seq.s32 s10, $0x1;
	s10 =	sld [smem:$0x3FB7]  }
0x3d: {  	_ =	shalt  }
0x3e: {  	_ =	shalt  }
0x3f: {  	_ =	shalt  }
0x40: {  	_ =	shalt  }
0x41: {  	_ =	shalt  }
0x42: {  	_ =	shalt  }
0x43: {  	_ =	shalt  }
0x44: {  	_ =	shalt  }
0x45: {  	_ =	shalt  }
0x46: {  	_ =	shalt  }
0x47: {  	_ =	shalt  }
0x48: {  	_ =	shalt  }
0x49: {  	_ =	shalt  }
0x4a: {  	_ =	shalt  }
0x4b: {  	_ =	shalt  }
0x4c: {  	_ =	shalt  }
0x4d: {  	_ =	shalt  }
0x4e: {  	_ =	shalt  }
0x4f: {  	_ =	shalt  }
0x50: {  	_ =	shalt  }
0x51: {  	_ =	shalt  }
0x52: {  	_ =	shalt  }
0x53: {  	_ =	shalt  }
0x54: {  	_ =	shalt  }
0x55: {  	_ =	shalt  }
0x56: {  	_ =	shalt  }
0x57: {  	_ =	shalt  }
0x58: {  	_ =	shalt  }
0x59: {  	_ =	shalt  }
0x5a: {  	_ =	shalt  }
0x5b: {  	_ =	shalt  }
0x5c: {  	_ =	shalt  }
0x5d: {  	_ =	shalt  }
0x5e: {  	_ =	shalt  }
0x5f: {  	_ =	shalt  }
0x60: {  	_ =	shalt  }
0x61: {  	_ =	shalt  }
0x62: {  	_ =	shalt  }
0x63: {  	_ =	shalt  }
0x64: {  	_ =	shalt  }
0x65: {  	_ =	shalt  }
0x66: {  	_ =	shalt  }
0x67: {  	_ =	shalt  }
0x68: {  	_ =	shalt  }
0x69: {  	_ =	shalt  }
0x6a: {  	_ =	shalt  }
0x6b: {  	_ =	shalt  }
0x6c: {  	_ =	shalt  }
0x6d: {  	_ =	shalt  }
0x6e: {  	_ =	shalt  }
0x6f: {  	_ =	shalt  }
0x70: {  	_ =	shalt  }
0x71: {  	_ =	shalt  }
0x72: {  	_ =	shalt  }
0x73: {  	_ =	shalt  }
0x74: {  	_ =	shalt  }
0x75: {  	_ =	shalt  }
0x76: {  	_ =	shalt  }
0x77: {  	_ =	shalt  }
0x78: {  	_ =	shalt  }
0x79: {  	_ =	shalt  }
0x7a: {  	_ =	shalt  }
0x7b: {  	_ =	shalt  }
0x7c: {  	_ =	shalt  }
0x7d: {  	_ =	shalt  }
0x7e: {  	_ =	shalt  }
0x7f: {  	_ =	shalt  }
0x80: {  	_ =	shalt  }
0x81: {  	_ =	shalt  }
0x82: {  	_ =	shalt  }
0x83: {  	_ =	shalt  }
0x84: {  	_ =	shalt  }
0x85: {  	_ =	shalt  }
0x86: {  	_ =	shalt  }
0x87: {  	_ =	shalt  }
.Lfunc_end0:
.L_simem_size_0:
called_computation.1_lowered:
.L_overlay_start_0:
0x88: {  	s2 =	sld [smem:$0x3FD9]  }
0x89: {  	s3 =	sld [smem:$0x3FFE];
	_ =	sdelay $0x1  }
0x8a: {  	s1 =	srdreg.scid  }
0x8b: {  	s0 =	sand.u32 $0x1, s1  }
0x8c: {  	s17 =	sshll.u32 s0, $0xA;
	s2 =	sadd.s32 s3, s2  }
0x8d: {  	s2 =	sadd.s32 s2, s17  }
0x8e: {  	[smem:$0x3FC3] =	sst s2  }
0x8f: {  	_ = 	snop  }
0x90: {  	s18 =	sld [smem:$0x3FC5];
	(tm) =	ssettm $0x1  }
0x91: {  	s19 =	sld [smem:$0x3FFB];
	_ =	sdelay $0x3  }
0x92: {  	_ =	strace s19  }
0x93: {  	s2 =	sld [smem:$0x3FFC];
	_ =	sdelay $0x3  }
0x94: {  	_ =	strace s2  }
0x95: {  	s2 =	sld [smem:$0x3FFD];
	_ =	sdelay $0x3  }
0x96: {  	_ =	strace s2  }
0x97: {  	_ =	strace $0x8FFFFFFF  }
0x98: {  	s20 =	sld [smem:$0x3FDB];
	_ =	sdelay $0x1  }
0x99: {  	s4 =	simm.s32 $_scs_section_size  }
0x9a: {  	s5 =	simm.s32 $_size__tile_overlayer_lowered;
	s6 =	simm.s32 $_tile_overlayer_lowered  }
0x9b: {  	s7 =	simm.s32 $0x1BFF;
	s21 =	sshll.u32 s6, $0x1;
	s4 =	sadd.s32 s4, s20  }
0x9c: {  	s22 =	simm.s32 $0x0;
	s5 =	sshll.u32 s5, $0x1;
	s6 =	sadd.s32 s21, s4  }
0x9d: {  	[timem:s22], [sflag:s7] =	dma.local [hbm:s6], s5  }
0x9e: {  	_ =	swait.ge [sflag:s7], s5  }
0x9f: {  	s5 =	ssub.s32 $0x0, s5;
	[sflag:s7] =	ssyncset.done $0x0  }
0xa0: {  	[sflag:s7] =	ssyncadd.s32 s5;
	_ =	sdelay $0x1  }
0xa1: {  	s23 =	simm.s32 $0x1B8B  }
0xa2: {  	_ =	swait.ge [sflag:s23], $0x1  }
0xa3: {  	[sflag:s23] =	ssyncset.done $0x0  }
0xa4: {  	[sflag:s23] =	ssyncadd.s32 $0xFFFFFFFF  }
0xa5: {  	s5 =	sld [smem:$0x0]  }
0xa6: {  	s6 =	sand.u32 $0xFFFFFFFE, s1  }
0xa7: {  	p0 =	sne.s32 s1, s6  }
0xa8: {  	s6 =	sshll.u32 @p0 s6, $0xE  }
0xa9: {  	s6 =	sadd.s32 @p0 $0x11B8D, s6;
	s7 =	sshll.u32 @p0 s5, $0x11  }
0xaa: {  	s6 =	sor.u32 @p0 s7, s6  }
0xab: {  	[sflag:s6] =	ssyncadd.remote.s32 @p0 $0x1;
	_ =	sdelay $0x1  }
0xac: {  	s6 =	simm.s32 @p0 $0x1B8D  }
0xad: {  	_ =	swait.eq @p0 [sflag:s6], $0x1  }
0xae: {  	[sflag:s6] =	ssyncadd.s32 @p0 $0xFFFFFFFF  }
0xaf: {  	s7 =	sshll.u32 @!p0 s1, $0xE  }
0xb0: {  	s7 =	sor.u32 @!p0 $0x4000, s7;
	s6 =	simm.s32 @!p0 $0x1B8D  }
0xb1: {  	s5 =	sshll.u32 @!p0 s5, $0x11;
	s7 =	sadd.s32 @!p0 $0x11B8D, s7;
	_ =	swait.eq @!p0 [sflag:s6], $0x1  }
0xb2: {  	s5 =	sor.u32 @!p0 s5, s7;
	[sflag:s6] =	ssyncadd.s32 @!p0 $0xFFFFFFFF  }
0xb3: {  	s25 =	simm.s32 $0x1B8E;
	s24 =	sld [smem:$0x3FFE];
	[sflag:s5] =	ssyncadd.remote.s32 @!p0 $0x1  }
0xb4: {  	s26 =	simm.s32 $execute0_lowered;
	[smem:$0x3FD2] =	sst s25  }
0xb5: {  	s6 =	sshll.u32 s26, $0x1;
	_ =	strace $0x80000049;
	[dreg:$0x1] =	wrdreg $0xFFFFFFFF  }
0xb6: {  	s28 =	simm.s32 $_size_execute0_lowered;
	s4 =	sadd.s32 s4, s6;
	[dreg:$0x0] =	wrdreg $0x0  }
0xb7: {  	s6 =	sshll.u32 s28, $0x1;
	[dreg:$0x2] =	wrdreg s4  }
0xb8: {  	[dreg:$0x3] =	wrdreg s6  }
0xb9: {  	[dreg:$0x4] =	wrdreg $0xC0  }
0xba: {  	_ =	task [dreg:s22], $0x5FFFF  }
0xbb: {  	[dreg:$0x1] =	wrdreg $0xFFFFFFFF  }
0xbc: {  	[dreg:$0x0] =	wrdreg $0x60  }
0xbd: {  	[dreg:$0x2] =	wrdreg s24  }
0xbe: {  	[dreg:$0x3] =	wrdreg s18  }
0xbf: {  	[dreg:$0x4] =	wrdreg $0xA  }
0xc0: {  	_ =	task.clear_ibuf [dreg:s22], $0x5FFFF;
	_ =	strace $0x90000049  }
0xc1: {  	s29 =	simm.s32 $0xA;
	_ =	strace $0x8000004B  }
0xc2: {  	_ =	swait.ge [sflag:s29], $0x1  }
0xc3: {  	[sflag:s29] =	ssyncadd.s32 $0xFFFFFFFF  }
0xc4: {  	_ =	strace $0x9000004B  }
0xc5: {  	_ =	sfence  }
0xc6: {  	s30 =	sld [smem:$0x0];
	_ =	sdelay $0x2  }
0xc7: {  	s31 =	sshll.u32 s1, $0xD;
	s1 =	sshrl.u32 s1, $0x2  }
0xc8: {  	s4 =	sand.u32 $0x4000, s31;
	s1 =	sadd.s32 s1, s30  }
0xc9: {  	s0 =	sor.u32 s4, s0;
	s1 =	sshll.u32 s1, $0x11  }
0xca: {  	s0 =	sor.u32 s1, s0  }
0xcb: {  	s0 =	sadd.s32 $0x8F2B, s0  }
0xcc: {  	[sflag:s0] =	ssyncadd.remote.s32 $0x1  }
0xcd: {  	_ =	sfence.sel $0xFFFF  }
0xce: {  	[dreg:$0x0] =	wrdreg $0xFFFFFFFF;
	(pc) =	sbr.abs _section_cstart, $3  }
0xcf: {  	[dreg:$0x1] =	wrdreg $0xFFFFFFFF  }
0xd0: {  	_ =	task.clear_ibuf [dreg:s22], $0x2FFFF;
	_ =	strace $0x9FFFFFFF  }
0xd1: {  	(tm) =	ssettm $0x7FFFFFFF  }
tec
execute0_lowered:
.L_overlay_start_1:
0x0: {  	(tag) =	ssettag $0x1  }
0x1: {  	s1 =	srdreg.scid  }
0x2: {  	s10 =	rddreg [dreg:$0x0];
	s0 =	stileid.u32;
	s11 =	sand.u32 $0x1, s1  }
0x3: {  	s3 =	rddreg [dreg:$0x1];
	s4 =	sshll.u32 s0, $0xA;
	s5 =	sshll.u32 s11, $0x9  }
0x4: {  	s2 =	simm.s32 $0x0;
	s1 =	rddreg [dreg:$0x2];
	s12 =	sor.u32 s5, s4  }
0x5: {  	[smem:$0x7FF] =	sst s2;
	s4 =	sshrl.u32 s12, $0x3  }
0x6: {  	_ =	strace $0x8000004A;
	s4 =	sadd.s32 s3, s4;
	s3 =	simm.s32 $0x3  }
0x7: {  	[tilespmem:s2], [sflag:$0x3] =	stream.linear.gather [hbm4b:s4+s2], $0x200, $0x38;
	[tilespmem:$0x10200] =	vst v63  }
0x8: {  	_ =	swait.ge [sflag:s3], $0x200  }
0x9: {  	s6 =	simm.s32 $0x100;
	[sflag:s3] =	ssyncset.done $0x0  }
0xa: {  	s7 =	simm.s32 $0x200;
	s5 =	sadd.s32 $0x1C9C00, s10;
	[sflag:s3] =	ssyncadd.s32 $0xFFFFFE00  }
0xb: {  	[tilespmem:s7], [sflag:$0x1] =	stream.indirect.gather [hbm4b:s5+s6], $0x80, s2, s6, $0xb8;
	[tilespmem:$0x10200] =	vst v63  }
0xc: {  	s8 =	simm.s32 $0x8200;
	s9 =	simm.s32 $0x1  }
0xd: {  	[tilespmem:s8], [sflag:$0x2] =	stream.indirect.gather [hbm4b:s5+s6], $0x80, s6, s6, $0xb8;
	[tilespmem:$0x10200] =	vst v63  }
0xe: {  	s12 =	sshll.u32 s12, $0x4;
	_ =	swait.ge [sflag:s9], $0x8000  }
0xf: {  	s12 =	sadd.s32 s12, s10;
	[sflag:s9] =	ssyncset.done $0x0  }
0x10: {  	s13 =	ssub.s32 $0x2, s11;
	s10 =	sadd.s32 $0x350600, s12;
	[sflag:s9] =	ssyncadd.s32 $0xFFFF8000  }
0x11: {  	[hbm4b:s10+s2] =	stream.linear.scatter [tilespmem:s7], [sflag:$0x3], $0x8000, $0x38;
	[tilespmem:$0x10200] =	vst v63  }
0x12: {  	s14 =	sshrl.u32 s13, $0x1;
	_ =	swait.ge [sflag:s3], $0x8000  }
0x13: {  	s13 =	ssub.s32 s13, s14;
	[sflag:s3] =	ssyncset.done $0x0  }
0x14: {  	s11 =	simm.s32 $0x2;
	s13 =	smax.u32 s13, $0x1;
	[sflag:s3] =	ssyncadd.s32 $0xFFFF8000  }
0x15: {  	p0 =	sne.s32 s13, $0x1;
	_ =	swait.ge [sflag:s11], $0x8000  }
.Ltmp0:
0x16: {  	[sflag:s11] =	ssyncset.done $0x0;
	(pc) =	sbr.rel @!p0 .LBB2_2-.Ltmp0, $4  }
0x17: {  	s12 =	sadd.s32 $0x351600, s12;
	[sflag:s11] =	ssyncadd.s32 $0xFFFF8000  }
0x18: {  	[hbm4b:s12+s2] =	stream.linear.scatter [tilespmem:s8], [sflag:$0x3], $0x8000, $0x38;
	[tilespmem:$0x10200] =	vst v63  }
0x19: {  	_ =	swait.ge [sflag:s3], $0x8000  }
0x1a: {  	s13 =	sadd.s32 $0xFFFFFFFF, s13;
	[sflag:s3] =	ssyncset.done $0x0  }
.LBB2_1:
0x1b: {  	p0 =	sne.s32 s13, $0x1;
	s13 =	sadd.s32 $0xFFFFFFFF, s13;
	[sflag:s3] =	ssyncadd.s32 $0xFFFF8000  }
0x1c: {  	[tilespmem:s2], [sflag:$0x3] =	stream.linear.gather [hbm4b:s4+s2], $0x200, $0x38;
	[tilespmem:$0x10200] =	vst v63  }
0x1d: {  	_ =	swait.ge [sflag:s3], $0x200  }
0x1e: {  	[sflag:s3] =	ssyncset.done $0x0  }
0x1f: {  	[sflag:s3] =	ssyncadd.s32 $0xFFFFFE00  }
0x20: {  	[tilespmem:s7], [sflag:$0x1] =	stream.indirect.gather [hbm4b:s5+s6], $0x80, s2, s6, $0xb8;
	[tilespmem:$0x10200] =	vst v63  }
0x21: {  	_ = 	snop  }
0x22: {  	[tilespmem:s8], [sflag:$0x2] =	stream.indirect.gather [hbm4b:s5+s6], $0x80, s6, s6, $0xb8;
	[tilespmem:$0x10200] =	vst v63  }
0x23: {  	_ =	swait.ge [sflag:s9], $0x8000  }
0x24: {  	[sflag:s9] =	ssyncset.done $0x0  }
0x25: {  	[sflag:s9] =	ssyncadd.s32 $0xFFFF8000  }
0x26: {  	[hbm4b:s10+s2] =	stream.linear.scatter [tilespmem:s7], [sflag:$0x3], $0x8000, $0x38;
	[tilespmem:$0x10200] =	vst v63  }
0x27: {  	_ =	swait.ge [sflag:s3], $0x8000  }
0x28: {  	[sflag:s3] =	ssyncset.done $0x0  }
0x29: {  	[sflag:s3] =	ssyncadd.s32 $0xFFFF8000  }
0x2a: {  	_ =	swait.ge [sflag:s11], $0x8000  }
.Ltmp1:
0x2b: {  	[sflag:s11] =	ssyncset.done $0x0;
	(pc) =	sbr.rel @p0 .LBB2_1-.Ltmp1, $4  }
0x2c: {  	[sflag:s11] =	ssyncadd.s32 $0xFFFF8000  }
0x2d: {  	[hbm4b:s12+s2] =	stream.linear.scatter [tilespmem:s8], [sflag:$0x3], $0x8000, $0x38;
	[tilespmem:$0x10200] =	vst v63  }
0x2e: {  	_ =	swait.ge [sflag:s3], $0x8000  }
0x2f: {  	[sflag:s3] =	ssyncset.done $0x0  }
.LBB2_2:
0x30: {  	[sflag:s3] =	ssyncadd.s32 $0xFFFF8000  }
0x31: {  	_ =	sfence.sel $0x180000  }
0x32: {  	[bflag:$0x0] =	sbarrier.arrive $0xFFFF  }
0x33: {  	p0 =	sne.s32 s0, $0x0;
	_ =	strace $0x9000004A  }
0x34: {  	s0 =	sadd.s32 @!p0 $0x100000, s1;
	[bflag:$0x2] =	sbarrier.arrive $0xFFFF  }
0x35: {  	[sflag:s0] =	ssyncadd.tile.s32 @!p0 $0x1;
	_ =	shalt  }
.Lfunc_end2:
_tile_overlayer_lowered:
.L_overlay_start_2:
0x36: {  	(tag) =	ssettag $0x2  }
0x37: {  	s0 =	rddreg [dreg:$0x0];
	s2 =	stileid.u32  }
0x38: {  	s1 =	rddreg [dreg:$0x1];
	p0 =	sne.s32 s2, $0x0  }
0x39: {  	s3 =	rddreg [dreg:$0x2];
	[bflag:$0x3] =	sbarrier.arrive $0xFFFF;
	s2 =	simm.s32 @!p0 $0x1C03  }
0x3a: {  	[timem:s3], [sflag:s2] =	dma.local @!p0 [hbm:s0], s1  }
0x3b: {  	s0 =	simm.s32 @!p0 $0x3  }
0x3c: {  	_ =	swait.ge @!p0 [sflag:s0], s1  }
0x3d: {  	s1 =	ssub.s32 @!p0 $0x0, s1;
	[sflag:s0] =	ssyncset.done @!p0 $0x0  }
0x3e: {  	[sflag:s0] =	ssyncadd.s32 @!p0 s1  }
0x3f: {  	[bflag:$0x3] =	sbarrier.arrive $0xFFFF  }
0x40: {  	_ =	shalt  }

</sc_bundles>
